<compile_context>
chip_gen: v7x
topology: tpu7x:2x2x1
jax: 0.10.2.dev20260603
libtpu: 0.0.44.dev20260713+nightly
codegen_flags: <defaults>
</compile_context>

<pallas_src>
import jax
import jax.numpy as jnp
import numpy as np
from jax import lax
from jax.experimental import pallas as pl
from jax.experimental.pallas import tpu as pltpu
from jax.experimental.pallas import tpu_sc as plsc

_B, _L, _D = 16, 4096, 1024
_LANES = 16
_R = 1
_NCHUNKS = _L // _R
_SENT = _L


def _atext_body(seq_hbm, out_hbm, buf_v, row_v):
    sid = lax.axis_index("s")
    wid = sid

    @pl.when(wid < _B)
    def _():
        b = wid

        def row_max(r):
            acc = buf_v[r, pl.ds(0, _LANES)]
            for j in range(1, 8):
                acc = jnp.maximum(acc, buf_v[r, pl.ds(j * _LANES, _LANES)])

            def mbody(i, a):
                base = i * (8 * _LANES)
                for j in range(8):
                    a = jnp.maximum(a, buf_v[r, pl.ds(base + j * _LANES, _LANES)])
                return a

            acc = lax.fori_loop(1, _D // (8 * _LANES), mbody, acc)
            return jnp.max(acc)

        def chunk_cond(state):
            ci, fpos, _ = state
            return (fpos == _SENT) & (ci < _NCHUNKS)

        def chunk_body(state):
            ci, fpos, fzero = state
            pltpu.sync_copy(seq_hbm.at[b, pl.ds(ci * _R, _R)], buf_v)
            m = row_max(0)
            fpos = jnp.where(m > 0.0, ci, fpos)
            fzero = jnp.where((fzero == _SENT) & (m == 0.0), ci, fzero)
            return (ci + np.int32(1), fpos, fzero)

        ci, fpos, fzero = lax.while_loop(
            chunk_cond, chunk_body, (np.int32(0), np.int32(_SENT), np.int32(_SENT))
        )
        ans = jnp.where(
            fpos != _SENT, fpos, jnp.where(fzero != _SENT, fzero, np.int32(0))
        )
        base = (ci - 1) * _R

        def from_buf(_):
            pltpu.sync_copy(buf_v.at[ans - base], out_hbm.at[b])
            return 0

        def from_hbm(_):
            pltpu.sync_copy(seq_hbm.at[b, ans], row_v)
            pltpu.sync_copy(row_v, out_hbm.at[b])
            return 0

        lax.cond(ans >= base, from_buf, from_hbm, 0)


@jax.jit
def _atext(sequence):
    mesh = plsc.VectorSubcoreMesh(
        core_axis_name="c", subcore_axis_name="s", num_cores=1
    )
    return pl.kernel(
        _atext_body,
        out_type=jax.ShapeDtypeStruct((_B, _D), jnp.float32),
        mesh=mesh,
        compiler_params=pltpu.CompilerParams(
            needs_layout_passes=False, skip_device_barrier=True
        ),
        scratch_types=[
            pltpu.VMEM((_R, _D), jnp.float32),
            pltpu.VMEM((_D,), jnp.float32),
        ],
    )(sequence)


def kernel(sequence):
    return _atext(sequence)

# --- scband reference (transcript-rebuilt; emitter-appended) ---
"""Pipeline reference for scband-atext-8074538516814 (READ-ONLY COPY).

The authoritative reference and input builder live on the scoring server;
editing this copy changes nothing except your own understanding.
"""

import jax, jax.numpy as jnp
import numpy as np


def setup_inputs(seed: int = 0) -> dict:
    key = jax.random.key(seed)
    sequence = jax.random.normal(key, (16, 4096, 1024), dtype=jnp.float32)
    return {"sequence": sequence}


def reference(sequence):
    # Faithful translation of AText.get_lengths followed by AText.select_last,
    # which together constitute the module's functional behavior.
    B, L, D = sequence.shape
    # get_lengths
    seq = sequence.reshape(B, L, -1)
    mx = jnp.max(seq, axis=2, keepdims=True)          # [B, L, 1]
    mask = jnp.sign(mx)                               # [B, L, 1]
    lengths = jnp.argmax(mask, axis=1, keepdims=True) + 1  # [B, 1, 1] -> first max index
    lengths = lengths.reshape(-1)                     # [B]
    # select_last
    index = jnp.arange(B) * L                         # [B]
    index = index + lengths - 1
    flat = sequence.reshape(-1, D)                    # [B*L, D]
    out = flat[index]                                 # gather last valid step -> [B, D]
    return out

if __name__ == "__main__":
    import jax
    _d = setup_inputs()
    print(jax.jit(kernel)(*tuple(_d.values())))

</pallas_src>

<mosaic_0001>
#map = affine_map<(d0, d1) -> (0, 0, 0)>
#map1 = affine_map<(d0, d1) -> (0, 0)>
module attributes {stable_mosaic.version = 14 : i64} {
  func.func @_atext_body(%arg0: i32, %arg1: i32, %arg2: memref<16x4096x1024xf32, #tpu.memory_space<hbm>>, %arg3: memref<16x1024xf32, #tpu.memory_space<hbm>>, %arg4: memref<1x1024xf32, #tpu.memory_space<vmem>>, %arg5: memref<1024xf32, #tpu.memory_space<vmem>>) attributes {dimension_semantics = [#tpu.dimension_semantics<core_parallel>, #tpu.dimension_semantics<subcore_parallel>], iteration_bounds = array<i64: 1, 16>, scalar_prefetch = 0 : i64, scratch_operands = 2 : i64, tpu.core_type = #tpu.core_type<sc_vector_subcore>, window_params = [{transform_indices = #map}, {transform_indices = #map1}]} {
    %lt3A = arith.constant 16 : i32
    %lt3A_0 = arith.cmpi slt, %arg1, %lt3A : i32
    %convert_element_type3A = arith.extui %lt3A_0 : i1 to i32
    %cond3A = arith.constant 0 : i32
    %cond3A_1 = arith.cmpi ne, %convert_element_type3A, %cond3A : i32
    scf.if %cond3A_1 {
      %while3A = arith.constant 0 : i32
      %while3A_2 = arith.constant 4096 : i32
      %while3A_3 = arith.constant 4096 : i32
      %while3A_4:3 = scf.while (%while3A_16 = %while3A, %while3A_17 = %while3A_2, %while3A_18 = %while3A_3) : (i32, i32, i32) -> (i32, i32, i32) {
        %eq3A = arith.constant 4096 : i32
        %eq3A_19 = arith.cmpi eq, %while3A_17, %eq3A : i32
        %lt3A_20 = arith.constant 4096 : i32
        %lt3A_21 = arith.cmpi slt, %while3A_16, %lt3A_20 : i32
        %and3A = arith.andi %eq3A_19, %lt3A_21 : i1
        scf.condition(%and3A) %while3A_16, %while3A_17, %while3A_18 : i32, i32, i32
      } do {
      ^bb0(%while3A_16: i32, %while3A_17: i32, %while3A_18: i32):
        %mul3A_19 = arith.constant 1 : i32
        %mul3A_20 = arith.muli %while3A_16, %mul3A_19 : i32
        "tpu.region"() ({
          %run_scoped3A = tpu.sem_alloc : memref<!tpu.dma_semaphore, #tpu.memory_space<semaphore_mem>>
          %dma_start3A = arith.constant 0 : i32
          %dma_start3A_73 = tpu.memref_slice %arg2[%arg1, %mul3A_20, %dma_start3A] : memref<16x4096x1024xf32, #tpu.memory_space<hbm>> -> memref<1x1x1024xf32, #tpu.memory_space<hbm>>
          %dma_start3A_74 = tpu.memref_squeeze %dma_start3A_73 : memref<1x1x1024xf32, #tpu.memory_space<hbm>> -> memref<1x1024xf32, #tpu.memory_space<hbm>>
          %dma_start3A_75 = arith.constant 0 : i32
          %dma_start3A_76 = tpu.memref_slice %arg2[%arg1, %mul3A_20, %dma_start3A_75] : memref<16x4096x1024xf32, #tpu.memory_space<hbm>> -> memref<1x1x1024xf32, #tpu.memory_space<hbm>>
          %dma_start3A_77 = tpu.memref_squeeze %dma_start3A_76 : memref<1x1x1024xf32, #tpu.memory_space<hbm>> -> memref<1x1024xf32, #tpu.memory_space<hbm>>
          tpu.enqueue_dma source(%dma_start3A_77 : memref<1x1024xf32, #tpu.memory_space<hbm>>) target(%arg4 : memref<1x1024xf32, #tpu.memory_space<vmem>>) target_semaphore(%run_scoped3A : memref<!tpu.dma_semaphore, #tpu.memory_space<semaphore_mem>>)
          %dma_wait3A = arith.constant 0 : i32
          %dma_wait3A_78 = tpu.memref_slice %arg2[%arg1, %mul3A_20, %dma_wait3A] : memref<16x4096x1024xf32, #tpu.memory_space<hbm>> -> memref<1x1x1024xf32, #tpu.memory_space<hbm>>
          %dma_wait3A_79 = tpu.memref_squeeze %dma_wait3A_78 : memref<1x1x1024xf32, #tpu.memory_space<hbm>> -> memref<1x1024xf32, #tpu.memory_space<hbm>>
          %dma_wait3A_80 = arith.constant 0 : i32
          %dma_wait3A_81 = tpu.memref_slice %arg2[%arg1, %mul3A_20, %dma_wait3A_80] : memref<16x4096x1024xf32, #tpu.memory_space<hbm>> -> memref<1x1x1024xf32, #tpu.memory_space<hbm>>
          %dma_wait3A_82 = tpu.memref_squeeze %dma_wait3A_81 : memref<1x1x1024xf32, #tpu.memory_space<hbm>> -> memref<1x1024xf32, #tpu.memory_space<hbm>>
          tpu.wait_dma2 semaphore(%run_scoped3A : memref<!tpu.dma_semaphore, #tpu.memory_space<semaphore_mem>>) src(%dma_wait3A_82 : memref<1x1024xf32, #tpu.memory_space<hbm>>) dst(%arg4 : memref<1x1024xf32, #tpu.memory_space<vmem>>)
          tpu.yield
        }) : () -> ()
        %get3A = arith.constant 0 : i32
        %get3A_21 = arith.index_cast %get3A : i32 to index
        %get3A_22 = arith.constant 0 : index
        %get3A_23 = tpu.vector_load %arg4[%get3A_21, %get3A_22] {strides = array<i32>} : memref<1x1024xf32, #tpu.memory_space<vmem>>, vector<16xf32>,
        %get3A_24 = arith.constant 0 : i32
        %get3A_25 = arith.index_cast %get3A_24 : i32 to index
        %get3A_26 = arith.constant 16 : index
        %get3A_27 = tpu.vector_load %arg4[%get3A_25, %get3A_26] {strides = array<i32>} : memref<1x1024xf32, #tpu.memory_space<vmem>>, vector<16xf32>,
        %max3A = arith.maximumf %get3A_23, %get3A_27 : vector<16xf32>
        %get3A_28 = arith.constant 0 : i32
        %get3A_29 = arith.index_cast %get3A_28 : i32 to index
        %get3A_30 = arith.constant 32 : index
        %get3A_31 = tpu.vector_load %arg4[%get3A_29, %get3A_30] {strides = array<i32>} : memref<1x1024xf32, #tpu.memory_space<vmem>>, vector<16xf32>,
        %max3A_32 = arith.maximumf %max3A, %get3A_31 : vector<16xf32>
        %get3A_33 = arith.constant 0 : i32
        %get3A_34 = arith.index_cast %get3A_33 : i32 to index
        %get3A_35 = arith.constant 48 : index
        %get3A_36 = tpu.vector_load %arg4[%get3A_34, %get3A_35] {strides = array<i32>} : memref<1x1024xf32, #tpu.memory_space<vmem>>, vector<16xf32>,
        %max3A_37 = arith.maximumf %max3A_32, %get3A_36 : vector<16xf32>
        %get3A_38 = arith.constant 0 : i32
        %get3A_39 = arith.index_cast %get3A_38 : i32 to index
        %get3A_40 = arith.constant 64 : index
        %get3A_41 = tpu.vector_load %arg4[%get3A_39, %get3A_40] {strides = array<i32>} : memref<1x1024xf32, #tpu.memory_space<vmem>>, vector<16xf32>,
        %max3A_42 = arith.maximumf %max3A_37, %get3A_41 : vector<16xf32>
        %get3A_43 = arith.constant 0 : i32
        %get3A_44 = arith.index_cast %get3A_43 : i32 to index
        %get3A_45 = arith.constant 80 : index
        %get3A_46 = tpu.vector_load %arg4[%get3A_44, %get3A_45] {strides = array<i32>} : memref<1x1024xf32, #tpu.memory_space<vmem>>, vector<16xf32>,
        %max3A_47 = arith.maximumf %max3A_42, %get3A_46 : vector<16xf32>
        %get3A_48 = arith.constant 0 : i32
        %get3A_49 = arith.index_cast %get3A_48 : i32 to index
        %get3A_50 = arith.constant 96 : index
        %get3A_51 = tpu.vector_load %arg4[%get3A_49, %get3A_50] {strides = array<i32>} : memref<1x1024xf32, #tpu.memory_space<vmem>>, vector<16xf32>,
        %max3A_52 = arith.maximumf %max3A_47, %get3A_51 : vector<16xf32>
        %get3A_53 = arith.constant 0 : i32
        %get3A_54 = arith.index_cast %get3A_53 : i32 to index
        %get3A_55 = arith.constant 112 : index
        %get3A_56 = tpu.vector_load %arg4[%get3A_54, %get3A_55] {strides = array<i32>} : memref<1x1024xf32, #tpu.memory_space<vmem>>, vector<16xf32>,
        %max3A_57 = arith.maximumf %max3A_52, %get3A_56 : vector<16xf32>
        %scan3A = arith.constant 1 : i32
        %scan3A_58 = arith.constant 7 : i32
        %scan3A_59 = arith.addi %scan3A, %scan3A_58 : i32
        %scan3A_60 = arith.constant 1 : i32
        %scan3A_61 = scf.for %scan3A_73 = %scan3A to %scan3A_59 step %scan3A_60 iter_args(%scan3A_74 = %max3A_57) -> (vector<16xf32>)  : i32 {
          %mul3A_75 = arith.constant 128 : i32
          %mul3A_76 = arith.muli %scan3A_73, %mul3A_75 : i32
          %add3A_77 = arith.constant 0 : i32
          %add3A_78 = arith.addi %mul3A_76, %add3A_77 : i32
          %get3A_79 = arith.constant 0 : i32
          %get3A_80 = arith.index_cast %get3A_79 : i32 to index
          %get3A_81 = arith.index_cast %add3A_78 : i32 to index
          %get3A_82 = tpu.vector_load %arg4[%get3A_80, %get3A_81] {strides = array<i32>} : memref<1x1024xf32, #tpu.memory_space<vmem>>, vector<16xf32>,
          %max3A_83 = arith.maximumf %scan3A_74, %get3A_82 : vector<16xf32>
          %add3A_84 = arith.constant 16 : i32
          %add3A_85 = arith.addi %mul3A_76, %add3A_84 : i32
          %get3A_86 = arith.constant 0 : i32
          %get3A_87 = arith.index_cast %get3A_86 : i32 to index
          %get3A_88 = arith.index_cast %add3A_85 : i32 to index
          %get3A_89 = tpu.vector_load %arg4[%get3A_87, %get3A_88] {strides = array<i32>} : memref<1x1024xf32, #tpu.memory_space<vmem>>, vector<16xf32>,
          %max3A_90 = arith.maximumf %max3A_83, %get3A_89 : vector<16xf32>
          %add3A_91 = arith.constant 32 : i32
          %add3A_92 = arith.addi %mul3A_76, %add3A_91 : i32
          %get3A_93 = arith.constant 0 : i32
          %get3A_94 = arith.index_cast %get3A_93 : i32 to index
          %get3A_95 = arith.index_cast %add3A_92 : i32 to index
          %get3A_96 = tpu.vector_load %arg4[%get3A_94, %get3A_95] {strides = array<i32>} : memref<1x1024xf32, #tpu.memory_space<vmem>>, vector<16xf32>,
          %max3A_97 = arith.maximumf %max3A_90, %get3A_96 : vector<16xf32>
          %add3A_98 = arith.constant 48 : i32
          %add3A_99 = arith.addi %mul3A_76, %add3A_98 : i32
          %get3A_100 = arith.constant 0 : i32
          %get3A_101 = arith.index_cast %get3A_100 : i32 to index
          %get3A_102 = arith.index_cast %add3A_99 : i32 to index
          %get3A_103 = tpu.vector_load %arg4[%get3A_101, %get3A_102] {strides = array<i32>} : memref<1x1024xf32, #tpu.memory_space<vmem>>, vector<16xf32>,
          %max3A_104 = arith.maximumf %max3A_97, %get3A_103 : vector<16xf32>
          %add3A_105 = arith.constant 64 : i32
          %add3A_106 = arith.addi %mul3A_76, %add3A_105 : i32
          %get3A_107 = arith.constant 0 : i32
          %get3A_108 = arith.index_cast %get3A_107 : i32 to index
          %get3A_109 = arith.index_cast %add3A_106 : i32 to index
          %get3A_110 = tpu.vector_load %arg4[%get3A_108, %get3A_109] {strides = array<i32>} : memref<1x1024xf32, #tpu.memory_space<vmem>>, vector<16xf32>,
          %max3A_111 = arith.maximumf %max3A_104, %get3A_110 : vector<16xf32>
          %add3A_112 = arith.constant 80 : i32
          %add3A_113 = arith.addi %mul3A_76, %add3A_112 : i32
          %get3A_114 = arith.constant 0 : i32
          %get3A_115 = arith.index_cast %get3A_114 : i32 to index
          %get3A_116 = arith.index_cast %add3A_113 : i32 to index
          %get3A_117 = tpu.vector_load %arg4[%get3A_115, %get3A_116] {strides = array<i32>} : memref<1x1024xf32, #tpu.memory_space<vmem>>, vector<16xf32>,
          %max3A_118 = arith.maximumf %max3A_111, %get3A_117 : vector<16xf32>
          %add3A_119 = arith.constant 96 : i32
          %add3A_120 = arith.addi %mul3A_76, %add3A_119 : i32
          %get3A_121 = arith.constant 0 : i32
          %get3A_122 = arith.index_cast %get3A_121 : i32 to index
          %get3A_123 = arith.index_cast %add3A_120 : i32 to index
          %get3A_124 = tpu.vector_load %arg4[%get3A_122, %get3A_123] {strides = array<i32>} : memref<1x1024xf32, #tpu.memory_space<vmem>>, vector<16xf32>,
          %max3A_125 = arith.maximumf %max3A_118, %get3A_124 : vector<16xf32>
          %add3A_126 = arith.constant 112 : i32
          %add3A_127 = arith.addi %mul3A_76, %add3A_126 : i32
          %get3A_128 = arith.constant 0 : i32
          %get3A_129 = arith.index_cast %get3A_128 : i32 to index
          %get3A_130 = arith.index_cast %add3A_127 : i32 to index
          %get3A_131 = tpu.vector_load %arg4[%get3A_129, %get3A_130] {strides = array<i32>} : memref<1x1024xf32, #tpu.memory_space<vmem>>, vector<16xf32>,
          %max3A_132 = arith.maximumf %max3A_125, %get3A_131 : vector<16xf32>
          scf.yield %max3A_132 : vector<16xf32>
        }
        %scan3A_62 = arith.constant 7 : i32
        %reduce_max3A = arith.constant true
        %reduce_max3A_63 = vector.broadcast %reduce_max3A : i1 to vector<16xi1>
        %reduce_max3A_64 = tpu.scan <max>, %scan3A_61 masked %reduce_max3A_63 : vector<16xf32>, vector<16xi1> -> vector<16xf32>
        %reduce_max3A_65 = vector.extract %reduce_max3A_64[15] : f32 from vector<16xf32>
        %gt3A = arith.constant 0.000000e+00 : f32
        %gt3A_66 = arith.cmpf ogt, %reduce_max3A_65, %gt3A : f32
        %select_n3A_67 = arith.select %gt3A_66, %while3A_16, %while3A_17 : i32
        %eq3A = arith.constant 4096 : i32
        %eq3A_68 = arith.cmpi eq, %while3A_18, %eq3A : i32
        %eq3A_69 = arith.constant 0.000000e+00 : f32
        %eq3A_70 = arith.cmpf oeq, %reduce_max3A_65, %eq3A_69 : f32
        %and3A = arith.andi %eq3A_68, %eq3A_70 : i1
        %select_n3A_71 = arith.select %and3A, %while3A_16, %while3A_18 : i32
        %add3A = arith.constant 1 : i32
        %add3A_72 = arith.addi %while3A_16, %add3A : i32
        scf.yield %add3A_72, %select_n3A_67, %select_n3A_71 : i32, i32, i32
      }
      %ne3A = arith.constant 4096 : i32
      %ne3A_5 = arith.cmpi ne, %while3A_4#1, %ne3A : i32
      %ne3A_6 = arith.constant 4096 : i32
      %ne3A_7 = arith.cmpi ne, %while3A_4#2, %ne3A_6 : i32
      %jit3A = arith.constant 0 : i32
      %select_n3A = arith.select %ne3A_7, %while3A_4#2, %jit3A : i32
      %select_n3A_8 = arith.select %ne3A_5, %while3A_4#1, %select_n3A : i32
      %sub3A = arith.constant 1 : i32
      %sub3A_9 = arith.subi %while3A_4#0, %sub3A : i32
      %mul3A = arith.constant 1 : i32
      %mul3A_10 = arith.muli %sub3A_9, %mul3A : i32
      %ge3A = arith.cmpi sge, %select_n3A_8, %mul3A_10 : i32
      %convert_element_type3A_11 = arith.extui %ge3A : i1 to i32
      %cond3A_12 = arith.constant 0 : i32
      %cond3A_13 = arith.constant 0 : i32
      %cond3A_14 = arith.cmpi ne, %convert_element_type3A_11, %cond3A_13 : i32
      %cond3A_15 = scf.if %cond3A_14 -> (i32) {
        %sub3A_16 = arith.subi %select_n3A_8, %mul3A_10 : i32
        "tpu.region"() ({
          %run_scoped3A = tpu.sem_alloc : memref<!tpu.dma_semaphore, #tpu.memory_space<semaphore_mem>>
          %dma_start3A = arith.constant 0 : i32
          %dma_start3A_18 = tpu.memref_slice %arg4[%sub3A_16, %dma_start3A] : memref<1x1024xf32, #tpu.memory_space<vmem>> -> memref<1x1024xf32, #tpu.memory_space<vmem>>
          %dma_start3A_19 = tpu.memref_squeeze %dma_start3A_18 : memref<1x1024xf32, #tpu.memory_space<vmem>> -> memref<1024xf32, #tpu.memory_space<vmem>>
          %dma_start3A_20 = arith.constant 0 : i32
          %dma_start3A_21 = tpu.memref_slice %arg3[%arg1, %dma_start3A_20] : memref<16x1024xf32, #tpu.memory_space<hbm>> -> memref<1x1024xf32, #tpu.memory_space<hbm>>
          %dma_start3A_22 = tpu.memref_squeeze %dma_start3A_21 : memref<1x1024xf32, #tpu.memory_space<hbm>> -> memref<1024xf32, #tpu.memory_space<hbm>>
          %dma_start3A_23 = arith.constant 0 : i32
          %dma_start3A_24 = tpu.memref_slice %arg3[%arg1, %dma_start3A_23] : memref<16x1024xf32, #tpu.memory_space<hbm>> -> memref<1x1024xf32, #tpu.memory_space<hbm>>
          %dma_start3A_25 = tpu.memref_squeeze %dma_start3A_24 : memref<1x1024xf32, #tpu.memory_space<hbm>> -> memref<1024xf32, #tpu.memory_space<hbm>>
          %dma_start3A_26 = arith.constant 0 : i32
          %dma_start3A_27 = tpu.memref_slice %arg4[%sub3A_16, %dma_start3A_26] : memref<1x1024xf32, #tpu.memory_space<vmem>> -> memref<1x1024xf32, #tpu.memory_space<vmem>>
          %dma_start3A_28 = tpu.memref_squeeze %dma_start3A_27 : memref<1x1024xf32, #tpu.memory_space<vmem>> -> memref<1024xf32, #tpu.memory_space<vmem>>
          tpu.enqueue_dma source(%dma_start3A_28 : memref<1024xf32, #tpu.memory_space<vmem>>) target(%dma_start3A_25 : memref<1024xf32, #tpu.memory_space<hbm>>) target_semaphore(%run_scoped3A : memref<!tpu.dma_semaphore, #tpu.memory_space<semaphore_mem>>)
          %dma_wait3A = arith.constant 0 : i32
          %dma_wait3A_29 = tpu.memref_slice %arg4[%sub3A_16, %dma_wait3A] : memref<1x1024xf32, #tpu.memory_space<vmem>> -> memref<1x1024xf32, #tpu.memory_space<vmem>>
          %dma_wait3A_30 = tpu.memref_squeeze %dma_wait3A_29 : memref<1x1024xf32, #tpu.memory_space<vmem>> -> memref<1024xf32, #tpu.memory_space<vmem>>
          %dma_wait3A_31 = arith.constant 0 : i32
          %dma_wait3A_32 = tpu.memref_slice %arg3[%arg1, %dma_wait3A_31] : memref<16x1024xf32, #tpu.memory_space<hbm>> -> memref<1x1024xf32, #tpu.memory_space<hbm>>
          %dma_wait3A_33 = tpu.memref_squeeze %dma_wait3A_32 : memref<1x1024xf32, #tpu.memory_space<hbm>> -> memref<1024xf32, #tpu.memory_space<hbm>>
          %dma_wait3A_34 = arith.constant 0 : i32
          %dma_wait3A_35 = tpu.memref_slice %arg3[%arg1, %dma_wait3A_34] : memref<16x1024xf32, #tpu.memory_space<hbm>> -> memref<1x1024xf32, #tpu.memory_space<hbm>>
          %dma_wait3A_36 = tpu.memref_squeeze %dma_wait3A_35 : memref<1x1024xf32, #tpu.memory_space<hbm>> -> memref<1024xf32, #tpu.memory_space<hbm>>
          %dma_wait3A_37 = arith.constant 0 : i32
          %dma_wait3A_38 = tpu.memref_slice %arg4[%sub3A_16, %dma_wait3A_37] : memref<1x1024xf32, #tpu.memory_space<vmem>> -> memref<1x1024xf32, #tpu.memory_space<vmem>>
          %dma_wait3A_39 = tpu.memref_squeeze %dma_wait3A_38 : memref<1x1024xf32, #tpu.memory_space<vmem>> -> memref<1024xf32, #tpu.memory_space<vmem>>
          tpu.wait_dma2 semaphore(%run_scoped3A : memref<!tpu.dma_semaphore, #tpu.memory_space<semaphore_mem>>) src(%dma_wait3A_39 : memref<1024xf32, #tpu.memory_space<vmem>>) dst(%dma_wait3A_36 : memref<1024xf32, #tpu.memory_space<hbm>>)
          tpu.yield
        }) : () -> ()
        %cond3A_17 = arith.constant 0 : i32
        scf.yield %cond3A_17 : i32
      } else {
        "tpu.region"() ({
          %run_scoped3A = tpu.sem_alloc : memref<!tpu.dma_semaphore, #tpu.memory_space<semaphore_mem>>
          %dma_start3A = arith.constant 0 : i32
          %dma_start3A_17 = tpu.memref_slice %arg2[%arg1, %select_n3A_8, %dma_start3A] : memref<16x4096x1024xf32, #tpu.memory_space<hbm>> -> memref<1x1x1024xf32, #tpu.memory_space<hbm>>
          %dma_start3A_18 = tpu.memref_squeeze %dma_start3A_17 : memref<1x1x1024xf32, #tpu.memory_space<hbm>> -> memref<1024xf32, #tpu.memory_space<hbm>>
          %dma_start3A_19 = arith.constant 0 : i32
          %dma_start3A_20 = tpu.memref_slice %arg2[%arg1, %select_n3A_8, %dma_start3A_19] : memref<16x4096x1024xf32, #tpu.memory_space<hbm>> -> memref<1x1x1024xf32, #tpu.memory_space<hbm>>
          %dma_start3A_21 = tpu.memref_squeeze %dma_start3A_20 : memref<1x1x1024xf32, #tpu.memory_space<hbm>> -> memref<1024xf32, #tpu.memory_space<hbm>>
          tpu.enqueue_dma source(%dma_start3A_21 : memref<1024xf32, #tpu.memory_space<hbm>>) target(%arg5 : memref<1024xf32, #tpu.memory_space<vmem>>) target_semaphore(%run_scoped3A : memref<!tpu.dma_semaphore, #tpu.memory_space<semaphore_mem>>)
          %dma_wait3A = arith.constant 0 : i32
          %dma_wait3A_22 = tpu.memref_slice %arg2[%arg1, %select_n3A_8, %dma_wait3A] : memref<16x4096x1024xf32, #tpu.memory_space<hbm>> -> memref<1x1x1024xf32, #tpu.memory_space<hbm>>
          %dma_wait3A_23 = tpu.memref_squeeze %dma_wait3A_22 : memref<1x1x1024xf32, #tpu.memory_space<hbm>> -> memref<1024xf32, #tpu.memory_space<hbm>>
          %dma_wait3A_24 = arith.constant 0 : i32
          %dma_wait3A_25 = tpu.memref_slice %arg2[%arg1, %select_n3A_8, %dma_wait3A_24] : memref<16x4096x1024xf32, #tpu.memory_space<hbm>> -> memref<1x1x1024xf32, #tpu.memory_space<hbm>>
          %dma_wait3A_26 = tpu.memref_squeeze %dma_wait3A_25 : memref<1x1x1024xf32, #tpu.memory_space<hbm>> -> memref<1024xf32, #tpu.memory_space<hbm>>
          tpu.wait_dma2 semaphore(%run_scoped3A : memref<!tpu.dma_semaphore, #tpu.memory_space<semaphore_mem>>) src(%dma_wait3A_26 : memref<1024xf32, #tpu.memory_space<hbm>>) dst(%arg5 : memref<1024xf32, #tpu.memory_space<vmem>>)
          tpu.yield
        }) : () -> ()
        "tpu.region"() ({
          %run_scoped3A = tpu.sem_alloc : memref<!tpu.dma_semaphore, #tpu.memory_space<semaphore_mem>>
          %dma_start3A = arith.constant 0 : i32
          %dma_start3A_17 = tpu.memref_slice %arg3[%arg1, %dma_start3A] : memref<16x1024xf32, #tpu.memory_space<hbm>> -> memref<1x1024xf32, #tpu.memory_space<hbm>>
          %dma_start3A_18 = tpu.memref_squeeze %dma_start3A_17 : memref<1x1024xf32, #tpu.memory_space<hbm>> -> memref<1024xf32, #tpu.memory_space<hbm>>
          %dma_start3A_19 = arith.constant 0 : i32
          %dma_start3A_20 = tpu.memref_slice %arg3[%arg1, %dma_start3A_19] : memref<16x1024xf32, #tpu.memory_space<hbm>> -> memref<1x1024xf32, #tpu.memory_space<hbm>>
          %dma_start3A_21 = tpu.memref_squeeze %dma_start3A_20 : memref<1x1024xf32, #tpu.memory_space<hbm>> -> memref<1024xf32, #tpu.memory_space<hbm>>
          tpu.enqueue_dma source(%arg5 : memref<1024xf32, #tpu.memory_space<vmem>>) target(%dma_start3A_21 : memref<1024xf32, #tpu.memory_space<hbm>>) target_semaphore(%run_scoped3A : memref<!tpu.dma_semaphore, #tpu.memory_space<semaphore_mem>>)
          %dma_wait3A = arith.constant 0 : i32
          %dma_wait3A_22 = tpu.memref_slice %arg3[%arg1, %dma_wait3A] : memref<16x1024xf32, #tpu.memory_space<hbm>> -> memref<1x1024xf32, #tpu.memory_space<hbm>>
          %dma_wait3A_23 = tpu.memref_squeeze %dma_wait3A_22 : memref<1x1024xf32, #tpu.memory_space<hbm>> -> memref<1024xf32, #tpu.memory_space<hbm>>
          %dma_wait3A_24 = arith.constant 0 : i32
          %dma_wait3A_25 = tpu.memref_slice %arg3[%arg1, %dma_wait3A_24] : memref<16x1024xf32, #tpu.memory_space<hbm>> -> memref<1x1024xf32, #tpu.memory_space<hbm>>
          %dma_wait3A_26 = tpu.memref_squeeze %dma_wait3A_25 : memref<1x1024xf32, #tpu.memory_space<hbm>> -> memref<1024xf32, #tpu.memory_space<hbm>>
          tpu.wait_dma2 semaphore(%run_scoped3A : memref<!tpu.dma_semaphore, #tpu.memory_space<semaphore_mem>>) src(%arg5 : memref<1024xf32, #tpu.memory_space<vmem>>) dst(%dma_wait3A_26 : memref<1024xf32, #tpu.memory_space<hbm>>)
          tpu.yield
        }) : () -> ()
        %cond3A_16 = arith.constant 0 : i32
        scf.yield %cond3A_16 : i32
      }
    } else {
    }
    return
  }
}

</mosaic_0001>

<sc_bundles>
// kernel: _atext.3.cloned.1.call-start
scs
__scs_entry_jumppad:
0x0: {  	(pc) =	sbr.rel $0x88, $3  }
0x1: {  	(tag) =	ssettag $0x0;
	lr =	simm.s32 $0x1  }
0x2: {  	[smem:$0x3FA0] =	sst lr;
	_ =	strace $0xD0000000  }
0x3: {  	_ = 	snop  }
0x4: {  	_ = 	snop  }
0x5: {  	_ = 	snop  }
0x6: {  	_ = 	snop  }
0x7: {  	_ = 	snop  }
__scs_overlays_trampoline_lowered:
0x8: {  	[smem:$0x3FAF] =	sst s0  }
0x9: {  	[smem:$0x3FB0] =	sst s1  }
0xa: {  	[smem:$0x3FB1] =	sst s2  }
0xb: {  	[smem:$0x3FB2] =	sst s3  }
0xc: {  	[smem:$0x3FB3] =	sst s4  }
0xd: {  	[smem:$0x3FB4] =	sst s5  }
0xe: {  	[smem:$0x3FB5] =	sst s6  }
0xf: {  	[smem:$0x3FB6] =	sst s7  }
0x10: {  	[smem:$0x3FB7] =	sst s8  }
0x11: {  	[smem:$0x3FB8] =	sst s9;
	s0 =	simm.s32 @!p0 $0x0  }
0x12: {  	s1 =	sld [smem:$0x3F9E];
	s0 =	simm.s32 @p0 $0x1  }
0x13: {  	[smem:$0x3FB9] =	sst s0;
	s0 =	simm.s32 @!p1 $0x0  }
0x14: {  	s2 =	sld [smem:$0x3F9D];
	s0 =	simm.s32 @p1 $0x1  }
0x15: {  	[smem:$0x3FBA] =	sst s0;
	s0 =	simm.s32 @!p2 $0x0  }
0x16: {  	s3 =	sld [smem:$0x3FDB];
	s0 =	simm.s32 @p2 $0x1  }
0x17: {  	s4 =	simm.s32 $0x1BF5;
	[smem:$0x3FBC] =	sst s0  }
0x18: {  	s0 =	sld [smem:$0x3F9F];
	_ =	swait.ge [sflag:s4], $0x0  }
0x19: {  	s7 =	sld [smem:$0x3FA0]  }
0x1a: {  	s8 =	sadd.s32 $0xFFFFE003, lr  }
0x1b: {  	s9 =	sadd.s32 $0xFFFFFEF7, lr;
	s5 =	simm.s32 $0xFFFFFFFF;
	p2 =	slt.u32 s8, $0xFFFFF086  }
0x1c: {  	p1 =	slt.u32 s9, $0xF7A;
	s5 =	simm.s32 @!p2 $0x0  }
0x1d: {  	s5 =	simm.s32 @p1 $0x1;
	p0 =	seq.s32 s7, s2  }
0x1e: {  	s7 =	smul.u32 @!p0 $0xF7A, s2;
	p2 =	seq.s32 @!p0 s5, $0x0  }
0x1f: {  	s9 =	smul.u32 $0xF7A, s1;
	s8 =	simm.s32 @!p0 $0x1BF5;
	p2 =	por !p2, p0  }
0x20: {  	[sflag:s8] =	ssyncset.s32 @!p0 $0xFFFFF086;
	s6 =	sadd.s32 @!p0 s3, s7;
	s7 =	simm.s32 @!p0 $0x108  }
0x21: {  	s3 =	sadd.s32 s3, s9;
	s6 =	sadd.s32 @!p0 $0x88, s6;
	s7 =	simm.s32 @p2 $0x1082  }
0x22: {  	[simem:s7], [sflag:s8] =	dma.local @!p0 [hbm:s6], $0xF7A  }
0x23: {  	s9 =	sor.u32 $0xD0000000, s2;
	s6 =	simm.s32 $0x108;
	_ =	swait.ge @!p0 [sflag:s8], $0x0  }
0x24: {  	s3 =	sadd.s32 $0x88, s3;
	s6 =	simm.s32 @!p1 $0x1082;
	[sflag:s4] =	ssyncset.s32 $0xFFFFF086  }
0x25: {  	[simem:s6], [sflag:s4] =	dma.local [hbm:s3], $0xF7A  }
0x26: {  	[smem:$0x3FA0] =	sst s1;
	(tag) =	ssettag s2;
	_ =	strace s9  }
0x27: {  	s1 =	sld [smem:$0x3FB0]  }
0x28: {  	s2 =	sld [smem:$0x3FB1]  }
0x29: {  	s4 =	sld [smem:$0x3FB3]  }
0x2a: {  	p0 =	seq.s32 s5, $0x0;
	s5 =	sld [smem:$0x3FB4]  }
0x2b: {  	s6 =	sld [smem:$0x3FB5]  }
0x2c: {  	s7 =	sld [smem:$0x3FB6]  }
0x2d: {  	s3 =	simm.s32 $0x108;
	s8 =	sld [smem:$0x3FB7]  }
0x2e: {  	s3 =	simm.s32 @!p0 $0x1082;
	s9 =	sld [smem:$0x3FB8]  }
0x2f: {  	lr =	sadd.s32 s0, s3;
	s0 =	sld [smem:$0x3FAF]  }
0x30: {  	s3 =	sld [smem:$0x3FB2]  }
0x31: {  	[smem:$0x3FBB] =	sst s10  }
0x32: {  	s10 =	sld [smem:$0x3FB9];
	_ =	sdelay $0x3  }
0x33: {  	p0 =	seq.s32 s10, $0x1;
	s10 =	sld [smem:$0x3FBB];
	_ =	sdelay $0x3  }
0x34: {  	[smem:$0x3FBB] =	sst s10  }
0x35: {  	s10 =	sld [smem:$0x3FBA];
	_ =	sdelay $0x3  }
0x36: {  	p1 =	seq.s32 s10, $0x1;
	s10 =	sld [smem:$0x3FBB];
	_ =	sdelay $0x3  }
0x37: {  	[smem:$0x3FBB] =	sst s10  }
0x38: {  	s10 =	sld [smem:$0x3FBC]  }
0x39: {  	_ = 	snop;
	(pc) =	sbr.ind lr, $3  }
0x3a: {  	_ = 	snop  }
0x3b: {  	_ = 	snop  }
0x3c: {  	p2 =	seq.s32 s10, $0x1;
	s10 =	sld [smem:$0x3FBB]  }
0x3d: {  	_ =	shalt  }
0x3e: {  	_ =	shalt  }
0x3f: {  	_ =	shalt  }
0x40: {  	_ =	shalt  }
0x41: {  	_ =	shalt  }
0x42: {  	_ =	shalt  }
0x43: {  	_ =	shalt  }
0x44: {  	_ =	shalt  }
0x45: {  	_ =	shalt  }
0x46: {  	_ =	shalt  }
0x47: {  	_ =	shalt  }
0x48: {  	_ =	shalt  }
0x49: {  	_ =	shalt  }
0x4a: {  	_ =	shalt  }
0x4b: {  	_ =	shalt  }
0x4c: {  	_ =	shalt  }
0x4d: {  	_ =	shalt  }
0x4e: {  	_ =	shalt  }
0x4f: {  	_ =	shalt  }
0x50: {  	_ =	shalt  }
0x51: {  	_ =	shalt  }
0x52: {  	_ =	shalt  }
0x53: {  	_ =	shalt  }
0x54: {  	_ =	shalt  }
0x55: {  	_ =	shalt  }
0x56: {  	_ =	shalt  }
0x57: {  	_ =	shalt  }
0x58: {  	_ =	shalt  }
0x59: {  	_ =	shalt  }
0x5a: {  	_ =	shalt  }
0x5b: {  	_ =	shalt  }
0x5c: {  	_ =	shalt  }
0x5d: {  	_ =	shalt  }
0x5e: {  	_ =	shalt  }
0x5f: {  	_ =	shalt  }
0x60: {  	_ =	shalt  }
0x61: {  	_ =	shalt  }
0x62: {  	_ =	shalt  }
0x63: {  	_ =	shalt  }
0x64: {  	_ =	shalt  }
0x65: {  	_ =	shalt  }
0x66: {  	_ =	shalt  }
0x67: {  	_ =	shalt  }
0x68: {  	_ =	shalt  }
0x69: {  	_ =	shalt  }
0x6a: {  	_ =	shalt  }
0x6b: {  	_ =	shalt  }
0x6c: {  	_ =	shalt  }
0x6d: {  	_ =	shalt  }
0x6e: {  	_ =	shalt  }
0x6f: {  	_ =	shalt  }
0x70: {  	_ =	shalt  }
0x71: {  	_ =	shalt  }
0x72: {  	_ =	shalt  }
0x73: {  	_ =	shalt  }
0x74: {  	_ =	shalt  }
0x75: {  	_ =	shalt  }
0x76: {  	_ =	shalt  }
0x77: {  	_ =	shalt  }
0x78: {  	_ =	shalt  }
0x79: {  	_ =	shalt  }
0x7a: {  	_ =	shalt  }
0x7b: {  	_ =	shalt  }
0x7c: {  	_ =	shalt  }
0x7d: {  	_ =	shalt  }
0x7e: {  	_ =	shalt  }
0x7f: {  	_ =	shalt  }
0x80: {  	_ =	shalt  }
0x81: {  	_ =	shalt  }
0x82: {  	_ =	shalt  }
0x83: {  	_ =	shalt  }
0x84: {  	_ =	shalt  }
0x85: {  	_ =	shalt  }
0x86: {  	_ =	shalt  }
0x87: {  	_ =	shalt  }
.Lfunc_end0:
.L_simem_size_0:
called_computation_lowered:
.L_overlay_start_0:
0x88: {  	s0 =	sld [smem:$0x3FD9]  }
0x89: {  	s1 =	sld [smem:$0x3FFE];
	_ =	sdelay $0x3  }
0x8a: {  	s0 =	sadd.s32 s1, s0  }
0x8b: {  	[smem:$0x3FC7] =	sst s0  }
0x8c: {  	_ = 	snop  }
0x8d: {  	s0 =	sld [smem:$0x3FC9]  }
0x8e: {  	s17 =	sld [smem:$0x3FD0];
	(tm) =	ssettm $0x1  }
0x8f: {  	s2 =	sld [smem:$0x3FFB];
	_ =	sdelay $0x3  }
0x90: {  	_ =	strace s2  }
0x91: {  	s2 =	sld [smem:$0x3FFC];
	_ =	sdelay $0x3  }
0x92: {  	_ =	strace s2  }
0x93: {  	s2 =	sld [smem:$0x3FFD];
	_ =	sdelay $0x3  }
0x94: {  	_ =	strace s2  }
0x95: {  	_ =	strace $0x8FFFFFFF  }
0x96: {  	s18 =	sld [smem:$0x3FDB];
	_ =	sdelay $0x1  }
0x97: {  	s3 =	simm.s32 $_scs_section_size  }
0x98: {  	s4 =	simm.s32 $_size__tile_overlayer_lowered;
	s5 =	simm.s32 $_tile_overlayer_lowered  }
0x99: {  	s21 =	simm.s32 $0x1BFF;
	s20 =	sshll.u32 s5, $0x1;
	s2 =	sadd.s32 s3, s18  }
0x9a: {  	s6 =	simm.s32 $0x0;
	s19 =	sshll.u32 s4, $0x1;
	s4 =	sadd.s32 s20, s2  }
0x9b: {  	[timem:s6], [sflag:s21] =	dma.local [hbm:s4], s19  }
0x9c: {  	_ =	swait.ge [sflag:s21], s19  }
0x9d: {  	s3 =	ssub.s32 $0x0, s19;
	[sflag:s21] =	ssyncset.done $0x0  }
0x9e: {  	[sflag:s21] =	ssyncadd.s32 s3;
	_ =	sdelay $0x1  }
0x9f: {  	s22 =	simm.s32 $0x1B8B  }
0xa0: {  	_ =	swait.ge [sflag:s22], $0x1  }
0xa1: {  	[sflag:s22] =	ssyncset.done $0x0  }
0xa2: {  	s23 =	simm.s32 $0x1B8E;
	[sflag:s22] =	ssyncadd.s32 $0xFFFFFFFF  }
0xa3: {  	s24 =	simm.s32 $execute0_lowered;
	[smem:$0x3FD2] =	sst s23  }
0xa4: {  	s3 =	sshll.u32 s24, $0x1;
	_ =	strace $0x80000046;
	[dreg:$0x1] =	wrdreg $0xFFFFFFFF  }
0xa5: {  	s25 =	simm.s32 $_size_execute0_lowered;
	s2 =	sadd.s32 s2, s3;
	[dreg:$0x0] =	wrdreg $0x0  }
0xa6: {  	s3 =	sshll.u32 s25, $0x1;
	[dreg:$0x2] =	wrdreg s2  }
0xa7: {  	[dreg:$0x3] =	wrdreg s3  }
0xa8: {  	[dreg:$0x4] =	wrdreg $0xC0  }
0xa9: {  	_ =	task [dreg:s6], $0x5FFFF  }
0xaa: {  	[dreg:$0x1] =	wrdreg $0xFFFFFFFF  }
0xab: {  	[dreg:$0x0] =	wrdreg $0x60  }
0xac: {  	[dreg:$0x2] =	wrdreg s0  }
0xad: {  	[dreg:$0x3] =	wrdreg s17  }
0xae: {  	[dreg:$0x4] =	wrdreg $0x9  }
0xaf: {  	_ =	task.clear_ibuf [dreg:s6], $0x5FFFF;
	_ =	strace $0x90000046  }
0xb0: {  	s26 =	simm.s32 $0x9;
	_ =	strace $0x80000048  }
0xb1: {  	_ =	swait.ge [sflag:s26], $0x1  }
0xb2: {  	[sflag:s26] =	ssyncadd.s32 $0xFFFFFFFF  }
0xb3: {  	_ =	strace $0x90000048  }
0xb4: {  	_ =	sfence  }
0xb5: {  	s28 =	sld [smem:$0x0];
	_ =	sdelay $0x1  }
0xb6: {  	s29 =	srdreg.scid  }
0xb7: {  	s30 =	sshll.u32 s29, $0xD;
	s31 =	sshrl.u32 s29, $0x2  }
0xb8: {  	s1 =	sand.u32 $0x1, s29;
	s2 =	sand.u32 $0x4000, s30;
	s0 =	sadd.s32 s31, s28  }
0xb9: {  	s1 =	sor.u32 s2, s1;
	s0 =	sshll.u32 s0, $0x11  }
0xba: {  	s0 =	sor.u32 s0, s1  }
0xbb: {  	s0 =	sadd.s32 $0x8F2B, s0  }
0xbc: {  	[sflag:s0] =	ssyncadd.remote.s32 $0x1  }
0xbd: {  	_ =	sfence.sel $0xFFFF  }
0xbe: {  	[dreg:$0x0] =	wrdreg $0xFFFFFFFF;
	(pc) =	sbr.abs _section_cstart, $3  }
0xbf: {  	[dreg:$0x1] =	wrdreg $0xFFFFFFFF  }
0xc0: {  	_ =	task.clear_ibuf [dreg:s6], $0x2FFFF;
	_ =	strace $0x9FFFFFFF  }
0xc1: {  	(tm) =	ssettm $0x7FFFFFFF  }
tec
execute0_lowered:
.L_overlay_start_1:
0x0: {  	(tag) =	ssettag $0x1  }
0x1: {  	s4 =	rddreg [dreg:$0x0]  }
0x2: {  	s2 =	rddreg [dreg:$0x1]  }
0x3: {  	s0 =	rddreg [dreg:$0x2];
	s5 =	simm.s32 $0x0  }
0x4: {  	s1 =	stileid.u32;
	s6 =	simm.s32 $0x1000;
	s8 =	simm.s32 $0x80  }
0x5: {  	s9 =	simm.s32 $0x400;
	s10 =	simm.s32 $0x1;
	s11 =	simm.s32 $0x0  }
0x6: {  	s12 =	simm.s32 $0x0;
	[smem:$0x7FF] =	sst s5;
	s3 =	sshll.u32 s1, $0x13  }
0x7: {  	_ =	strace $0x80000047;
	s7 =	sadd.s32 s4, s3;
	s3 =	simm.s32 $0xFFFFFFFF  }
.LBB2_1:
0x8: {  	s13 =	sand.u32 $0x7FC00, s11  }
0x9: {  	s14 =	sand.u32 $0x70, s12;
	s13 =	sadd.s32 s13, s7  }
0xa: {  	s13 =	sadd.s32 s14, s13  }
0xb: {  	[tilespmem:s5], [sflag:$0x1] =	stream.strided.gather [hbm4b:s13+s8], $0x400, s9, s8, $0x38;
	[tilespmem:$0x800] =	vst v63  }
0xc: {  	_ =	swait.ge [sflag:s10], $0x400  }
0xd: {  	[sflag:s10] =	ssyncset.done $0x0  }
0xe: {  	[sflag:s10] =	ssyncadd.s32 $0xFFFFFC00  }
0xf: {  	v0 =	vld [tilespmem:$0x0]  }
0x10: {  	v1 =	vld [tilespmem:$0x10]  }
0x11: {  	v2 =	vld [tilespmem:$0x20]  }
0x12: {  	v3 =	vld [tilespmem:$0x30]  }
0x13: {  	v4 =	vld [tilespmem:$0x40]  }
0x14: {  	v5 =	vld [tilespmem:$0x50]  }
0x15: {  	v62 =	vld [tilespmem:$0x60];
	v0 =	vmax.f32 v0, v1  }
0x16: {  	v63 =	vld [tilespmem:$0x70];
	v0 =	vmax.f32 v0, v2  }
0x17: {  	v8 =	vld [tilespmem:$0x80];
	v0 =	vmax.f32 v0, v3  }
0x18: {  	v9 =	vld [tilespmem:$0x90];
	v0 =	vmax.f32 v0, v4  }
0x19: {  	v10 =	vld [tilespmem:$0xA0];
	v0 =	vmax.f32 v0, v5  }
0x1a: {  	v11 =	vld [tilespmem:$0xB0];
	v0 =	vmax.f32 v0, v62  }
0x1b: {  	v12 =	vld [tilespmem:$0xC0];
	v0 =	vmax.f32 v0, v63  }
0x1c: {  	v13 =	vld [tilespmem:$0xD0];
	v0 =	vmax.f32 v0, v8  }
0x1d: {  	v14 =	vld [tilespmem:$0xE0];
	v0 =	vmax.f32 v0, v9  }
0x1e: {  	v15 =	vld [tilespmem:$0xF0];
	v0 =	vmax.f32 v0, v10  }
0x1f: {  	v16 =	vld [tilespmem:$0x100];
	v0 =	vmax.f32 v0, v11  }
0x20: {  	v17 =	vld [tilespmem:$0x110];
	v0 =	vmax.f32 v0, v12  }
0x21: {  	v18 =	vld [tilespmem:$0x120];
	v0 =	vmax.f32 v0, v13  }
0x22: {  	v19 =	vld [tilespmem:$0x130];
	v0 =	vmax.f32 v0, v14  }
0x23: {  	v20 =	vld [tilespmem:$0x140];
	v0 =	vmax.f32 v0, v15  }
0x24: {  	v21 =	vld [tilespmem:$0x150];
	v0 =	vmax.f32 v0, v16  }
0x25: {  	v22 =	vld [tilespmem:$0x160];
	v0 =	vmax.f32 v0, v17  }
0x26: {  	v23 =	vld [tilespmem:$0x170];
	v0 =	vmax.f32 v0, v18  }
0x27: {  	v24 =	vld [tilespmem:$0x180];
	v0 =	vmax.f32 v0, v19  }
0x28: {  	v25 =	vld [tilespmem:$0x190];
	v0 =	vmax.f32 v0, v20  }
0x29: {  	v26 =	vld [tilespmem:$0x1A0];
	v0 =	vmax.f32 v0, v21  }
0x2a: {  	v27 =	vld [tilespmem:$0x1B0];
	v0 =	vmax.f32 v0, v22  }
0x2b: {  	v28 =	vld [tilespmem:$0x1C0];
	v0 =	vmax.f32 v0, v23  }
0x2c: {  	v29 =	vld [tilespmem:$0x1D0];
	v0 =	vmax.f32 v0, v24  }
0x2d: {  	v30 =	vld [tilespmem:$0x1E0];
	v0 =	vmax.f32 v0, v25  }
0x2e: {  	v31 =	vld [tilespmem:$0x1F0];
	v0 =	vmax.f32 v0, v26  }
0x2f: {  	v32 =	vld [tilespmem:$0x200];
	v0 =	vmax.f32 v0, v27  }
0x30: {  	v33 =	vld [tilespmem:$0x210];
	v0 =	vmax.f32 v0, v28  }
0x31: {  	v34 =	vld [tilespmem:$0x220];
	v0 =	vmax.f32 v0, v29  }
0x32: {  	v35 =	vld [tilespmem:$0x230];
	v0 =	vmax.f32 v0, v30  }
0x33: {  	v36 =	vld [tilespmem:$0x240];
	v0 =	vmax.f32 v0, v31  }
0x34: {  	v37 =	vld [tilespmem:$0x250];
	v0 =	vmax.f32 v0, v32  }
0x35: {  	v38 =	vld [tilespmem:$0x260];
	v0 =	vmax.f32 v0, v33  }
0x36: {  	v39 =	vld [tilespmem:$0x270];
	v0 =	vmax.f32 v0, v34  }
0x37: {  	v40 =	vld [tilespmem:$0x280];
	v0 =	vmax.f32 v0, v35  }
0x38: {  	v41 =	vld [tilespmem:$0x290];
	v0 =	vmax.f32 v0, v36  }
0x39: {  	v42 =	vld [tilespmem:$0x2A0];
	v0 =	vmax.f32 v0, v37  }
0x3a: {  	v43 =	vld [tilespmem:$0x2B0];
	v0 =	vmax.f32 v0, v38  }
0x3b: {  	v44 =	vld [tilespmem:$0x2C0];
	v0 =	vmax.f32 v0, v39  }
0x3c: {  	v45 =	vld [tilespmem:$0x2D0];
	v0 =	vmax.f32 v0, v40  }
0x3d: {  	v46 =	vld [tilespmem:$0x2E0];
	v0 =	vmax.f32 v0, v41  }
0x3e: {  	v47 =	vld [tilespmem:$0x2F0];
	v0 =	vmax.f32 v0, v42  }
0x3f: {  	v48 =	vld [tilespmem:$0x300];
	v0 =	vmax.f32 v0, v43  }
0x40: {  	v49 =	vld [tilespmem:$0x310];
	v0 =	vmax.f32 v0, v44  }
0x41: {  	v50 =	vld [tilespmem:$0x320];
	v0 =	vmax.f32 v0, v45  }
0x42: {  	v51 =	vld [tilespmem:$0x330];
	v0 =	vmax.f32 v0, v46  }
0x43: {  	v52 =	vld [tilespmem:$0x340];
	v0 =	vmax.f32 v0, v47  }
0x44: {  	v53 =	vld [tilespmem:$0x350];
	v0 =	vmax.f32 v0, v48  }
0x45: {  	v54 =	vld [tilespmem:$0x360];
	v0 =	vmax.f32 v0, v49  }
0x46: {  	v55 =	vld [tilespmem:$0x370];
	v0 =	vmax.f32 v0, v50  }
0x47: {  	v56 =	vld [tilespmem:$0x380];
	v0 =	vmax.f32 v0, v51  }
0x48: {  	v57 =	vld [tilespmem:$0x390];
	v0 =	vmax.f32 v0, v52  }
0x49: {  	v58 =	vld [tilespmem:$0x3A0];
	v0 =	vmax.f32 v0, v53  }
0x4a: {  	v59 =	vld [tilespmem:$0x3B0];
	v0 =	vmax.f32 v0, v54  }
0x4b: {  	v60 =	vld [tilespmem:$0x3C0];
	v0 =	vmax.f32 v0, v55  }
0x4c: {  	v61 =	vld [tilespmem:$0x3D0];
	v0 =	vmax.f32 v0, v56  }
0x4d: {  	v62 =	vld [tilespmem:$0x3E0];
	v0 =	vmax.f32 v0, v57  }
0x4e: {  	v63 =	vld [tilespmem:$0x3F0];
	v0 =	vmax.f32 v0, v58  }
0x4f: {  	v0 =	vmax.f32 v0, v59  }
0x50: {  	v0 =	vmax.f32 v0, v60  }
0x51: {  	v0 =	vmax.f32 v0, v61  }
0x52: {  	v0 =	vmax.f32 v0, v62  }
0x53: {  	v0 =	vmax.f32 v0, v63  }
0x54: {  	(xrf0) =	vmax.scan.msk.f32 $0xffff, v0;
	_ =	sdelay $0x5  }
0x55: {  	v0, _, _ =	vpop (xrf0)  }
0x56: {  	(v2sf) =	vpush v0, $0xF;
	_ =	sdelay $0xe  }
0x57: {  	s31 =	spop (v2sf)  }
0x58: {  	s3 =	sadd.s32 $0x1, s3;
	p0 =	sgt.f32 s31, $0.0e+00  }
0x59: {  	s13 =	smov.u32 s3  }
0x5a: {  	p1 =	sgt.u32 s3, $0xFFE;
	s13 =	simm.s32 @!p0 $0x1000;
	p0 =	seq.f32 s31, $0.0e+00  }
0x5b: {  	s14 =	smov.u32 s6;
	p2 =	seq.s32 @!p1 s13, $0x1000  }
0x5c: {  	s14 =	smov.u32 @p0 s3;
	p0 =	por p1, !p2  }
.Ltmp0:
0x5d: {  	_ = 	snop;
	(pc) =	sbr.rel @!p0 .LBB2_1-.Ltmp0, $3  }
0x5e: {  	_ =	sdelay $0x1  }
0x5f: {  	p1 =	seq.s32 s6, $0x1000  }
0x60: {  	s12 =	sadd.s32 $0x10, s12;
	s11 =	sadd.s32 $0x80, s11;
	s6 =	smov.u32 @p1 s14  }
0x61: {  	p0 =	seq.s32 s6, $0x1000  }
0x62: {  	p1 =	seq.s32 s13, $0x1000;
	s6 =	simm.s32 @p0 $0x0  }
0x63: {  	s13 =	smov.u32 @p1 s6  }
0x64: {  	p0 =	slt.u32 s13, s3  }
0x65: {  	s5 =	sshll.u32 @p0 s13, $0xA  }
0x66: {  	s6 =	sshll.u32 @p0 s1, $0x16;
	s7 =	sshll.u32 @p0 s13, $0x7;
	s5 =	sand.u32 @p0 $0x7FFFE000, s5  }
0x67: {  	s5 =	sadd.s32 @p0 s6, s5;
	s6 =	sand.u32 @p0 $0x380, s7  }
0x68: {  	s29 =	sshll.u32 s1, $0x4;
	s8 =	sshll.u32 s1, $0x7;
	s5 =	sor.u32 @p0 s6, s5  }
0x69: {  	s31 =	simm.s32 $0x1;
	s7 =	simm.s32 @p0 $0x1;
	s5 =	sshrl.u32 @p0 s5, $0x3  }
0x6a: {  	s6 =	simm.s32 @p0 $0x400;
	s4 =	sadd.s32 @p0 s4, s5;
	s5 =	simm.s32 @p0 $0x80  }
0x6b: {  	[tilespmem:s6], [sflag:$0x1] =	stream.strided.gather @p0 [hbm4b:s4+s5], $0x400, s6, s5, $0x38;
	[tilespmem:$0x800] =	vst v63  }
0x6c: {  	s30 =	sand.u32 $0x400, s8;
	s4 =	sand.u32 $0x70, s29;
	_ =	swait.ge @p0 [sflag:s7], $0x400  }
0x6d: {  	s3 =	ssub.s32 @!p0 s13, s3;
	s2 =	sadd.s32 s2, s4;
	[sflag:s7] =	ssyncset.done @p0 $0x0  }
0x6e: {  	s3 =	sshll.u32 @!p0 s3, $0xC;
	s2 =	sadd.s32 s30, s2;
	[sflag:s7] =	ssyncadd.s32 @p0 $0xFFFFFC00  }
0x6f: {  	[hbm4b:s2+s5] =	stream.strided.scatter @p0 [tilespmem:s6], [sflag:$0x1], $0x400, s6, s5, $0x38;
	[tilespmem:$0x800] =	vst v63  }
0x70: {  	s3 =	sshra.s32 @!p0 s3, $0x2;
	s4 =	simm.s32 @!p0 $0x80;
	s5 =	simm.s32 @!p0 $0x400  }
0x71: {  	[hbm4b:s2+s4] =	stream.strided.scatter @!p0 [tilespmem:s3], [sflag:$0x1], $0x400, s5, s4, $0x38;
	[tilespmem:$0x800] =	vst v63  }
0x72: {  	_ =	swait.ge [sflag:s31], $0x400  }
0x73: {  	[sflag:s31] =	ssyncset.done $0x0  }
0x74: {  	[sflag:s31] =	ssyncadd.s32 $0xFFFFFC00  }
0x75: {  	_ =	sfence.sel $0x180000  }
0x76: {  	[bflag:$0x0] =	sbarrier.arrive $0xFFFF  }
0x77: {  	p0 =	sne.s32 s1, $0x0;
	_ =	strace $0x90000047  }
0x78: {  	s0 =	sadd.s32 @!p0 $0x100000, s0;
	[bflag:$0x2] =	sbarrier.arrive $0xFFFF  }
0x79: {  	[sflag:s0] =	ssyncadd.tile.s32 @!p0 $0x1;
	_ =	shalt  }
.Lfunc_end2:
_tile_overlayer_lowered:
.L_overlay_start_2:
0x7a: {  	(tag) =	ssettag $0x2  }
0x7b: {  	s0 =	rddreg [dreg:$0x0];
	s2 =	stileid.u32  }
0x7c: {  	s1 =	rddreg [dreg:$0x1];
	p0 =	sne.s32 s2, $0x0  }
0x7d: {  	s3 =	rddreg [dreg:$0x2];
	[bflag:$0x3] =	sbarrier.arrive $0xFFFF;
	s2 =	simm.s32 @!p0 $0x1C01  }
0x7e: {  	[timem:s3], [sflag:s2] =	dma.local @!p0 [hbm:s0], s1  }
0x7f: {  	s0 =	simm.s32 @!p0 $0x1  }
0x80: {  	_ =	swait.ge @!p0 [sflag:s0], s1  }
0x81: {  	s1 =	ssub.s32 @!p0 $0x0, s1;
	[sflag:s0] =	ssyncset.done @!p0 $0x0  }
0x82: {  	[sflag:s0] =	ssyncadd.s32 @!p0 s1  }
0x83: {  	[bflag:$0x3] =	sbarrier.arrive $0xFFFF  }
0x84: {  	_ =	shalt  }

</sc_bundles>
